<compile_context>
chip_gen: v7x
topology: tpu7x:2x2x1
jax: 0.10.2.dev20260603
libtpu: 0.0.44.dev20260713+nightly
codegen_flags: <defaults>
</compile_context>

<pallas_src>
import functools

import jax
import jax.numpy as jnp
from jax import lax
from jax.experimental import pallas as pl
from jax.experimental.pallas import tpu as pltpu
from jax.experimental.pallas import tpu_sc as plsc

N = 10000
D = 128
E = 320000
NC, NS, L = 2, 16, 16
NW = NC * NS
K = 128
NCH = 80
NCHT = 2560
PC = 32
CPW0 = 96
CPW1 = 64
EPAD = NW * NCH * K
NP = 10240
RPT = NP // NS

_mesh = plsc.VectorSubcoreMesh(core_axis_name="c", subcore_axis_name="s")


@jax.jit
def _sc_degree(dst_r, zeros_t, ones_t):

    @functools.partial(
        pl.kernel,
        out_type=jax.ShapeDtypeStruct((NC, NP, D), jnp.float32),
        mesh=_mesh,
        scratch_types=[
            pltpu.VMEM((NCH, K), jnp.int32),
            pltpu.VMEM((K, D), jnp.float32),
            pltpu.VMEM_SHARED((NP, D), jnp.float32),
            pltpu.SemaphoreType.DMA,
        ],
    )
    def k(dst_hbm, z_hbm, ones_hbm, out_hbm, didx, ones_v, acc, sem):
        cid = lax.axis_index("c")
        sid = lax.axis_index("s")
        wid = cid * NS + sid
        pltpu.sync_copy(z_hbm.at[pl.ds(sid * RPT, RPT)],
                        acc.at[pl.ds(sid * RPT, RPT)])
        pltpu.sync_copy(ones_hbm, ones_v)
        pltpu.sync_copy(dst_hbm.at[wid], didx)
        plsc.subcore_barrier()

        @pl.loop(0, NCH, step=8)
        def _(j0):
            for b in range(8):
                pltpu.async_copy(ones_v, acc.at[didx.at[j0 + b]], sem,
                                 add=True)
            for b in range(8):
                pltpu.make_async_copy(ones_v, acc.at[didx.at[j0 + b]],
                                      sem).wait()

        plsc.subcore_barrier()
        pltpu.sync_copy(acc.at[pl.ds(sid * RPT, RPT)],
                        out_hbm.at[cid, pl.ds(sid * RPT, RPT)])

    return k(dst_r, zeros_t, ones_t)


@jax.jit
def _sc_aggregate(g, src_r, dst_r):

    @functools.partial(
        pl.kernel,
        out_type=jax.ShapeDtypeStruct((NC, NP, D), jnp.float32),
        mesh=_mesh,
        scratch_types=[
            pltpu.VMEM((PC, K), jnp.int32),
            pltpu.VMEM((PC, K), jnp.int32),
            pltpu.VMEM((K, D), jnp.float32),
            pltpu.VMEM((K, D), jnp.float32),
            pltpu.VMEM_SHARED((NP, D), jnp.float32),
            pltpu.SemaphoreType.DMA,
            pltpu.SemaphoreType.DMA,
            pltpu.SemaphoreType.DMA,
            pltpu.SemaphoreType.DMA,
        ],
    )
    def k(g_hbm, src_hbm, dst_hbm, out_hbm, sidx, didx, rows0, rows1,
          acc, gs0, gs1, ss0, ss1):
        rows = (rows0, rows1)
        gs = (gs0, gs1)
        ss = (ss0, ss1)
        cid = lax.axis_index("c")
        sid = lax.axis_index("s")
        pltpu.sync_copy(g_hbm.at[pl.ds(sid * RPT, RPT)],
                        acc.at[pl.ds(sid * RPT, RPT)])
        plsc.subcore_barrier()

        def piece_loop(base_chunk, npieces):
            @pl.loop(0, npieces)
            def _(p):
                c0 = pl.multiple_of(base_chunk + p * PC, 8)
                pltpu.sync_copy(src_hbm.at[pl.ds(c0, PC)], sidx)
                pltpu.sync_copy(dst_hbm.at[pl.ds(c0, PC)], didx)
                pltpu.async_copy(g_hbm.at[sidx.at[0]], rows[0], gs[0])

                @pl.loop(0, PC, step=2)
                def _(j0):
                    for b in range(2):
                        j = j0 + b
                        bp = 1 - b
                        pltpu.make_async_copy(g_hbm.at[sidx.at[j]], rows[b],
                                              gs[b]).wait()
                        pltpu.async_copy(rows[b], acc.at[didx.at[j]], ss[b],
                                         add=True)

                        @pl.when(j > 0)
                        def _():
                            pltpu.make_async_copy(rows[bp],
                                                  acc.at[didx.at[j - 1]],
                                                  ss[bp]).wait()

                        @pl.when(j + 1 < PC)
                        def _():
                            pltpu.async_copy(g_hbm.at[sidx.at[j + 1]],
                                             rows[bp], gs[bp])

                pltpu.make_async_copy(rows[(PC - 1) % 2],
                                      acc.at[didx.at[PC - 1]],
                                      ss[(PC - 1) % 2]).wait()

        @pl.when(cid == 0)
        def _():
            piece_loop(sid * CPW0, CPW0 // PC)

        @pl.when(cid == 1)
        def _():
            piece_loop(16 * CPW0 + sid * CPW1, CPW1 // PC)

        plsc.subcore_barrier()
        pltpu.sync_copy(acc.at[pl.ds(sid * RPT, RPT)],
                        out_hbm.at[cid, pl.ds(sid * RPT, RPT)])

    return k(g, src_r, dst_r)


BR = 5000
GRID = N // BR


def _dinv_of(dp0, dp1):
    deg = dp0[0, :, 0:1] + dp1[0, :, 0:1] + 1.0
    return lax.rsqrt(deg)


def _tc_first_body(x_ref, w_ref, dp0_ref, dp1_ref, g_ref):
    dinv = _dinv_of(dp0_ref[...], dp1_ref[...])
    g_ref[...] = jnp.dot(x_ref[...], w_ref[...],
                         preferred_element_type=jnp.float32) * dinv


def _tc_mid_body(pa_ref, pb_ref, g_ref, dp0_ref, dp1_ref, b_ref, w_ref, o_ref):
    dinv = _dinv_of(dp0_ref[...], dp1_ref[...])
    a = (pa_ref[0] + pb_ref[0] - g_ref[...]) * dinv + b_ref[...]
    a = jnp.maximum(a, 0.0)
    o_ref[...] = jnp.dot(a, w_ref[...],
                         preferred_element_type=jnp.float32) * dinv


def _tc_final_body(pa_ref, pb_ref, g_ref, dp0_ref, dp1_ref, b_ref, o_ref):
    dinv = _dinv_of(dp0_ref[...], dp1_ref[...])
    o_ref[...] = (pa_ref[0] + pb_ref[0] - g_ref[...]) * dinv + b_ref[...]


_spec_rows = pl.BlockSpec((BR, D), lambda i: (i, 0))
_spec_w = pl.BlockSpec((D, D), lambda i: (0, 0))
_spec_b = pl.BlockSpec((1, D), lambda i: (0, 0))
_spec_p0 = pl.BlockSpec((1, BR, D), lambda i: (0, i, 0))
_spec_p1 = pl.BlockSpec((1, BR, D), lambda i: (1, i, 0))
_spec_dp0 = pl.BlockSpec((1, BR, D), lambda i: (0, i, 0))
_spec_dp1 = pl.BlockSpec((1, BR, D), lambda i: (1, i, 0))
_out_rows = jax.ShapeDtypeStruct((N, D), jnp.float32)
_out_g = jax.ShapeDtypeStruct((NP, D), jnp.float32)

_tc_first = pl.pallas_call(
    _tc_first_body, grid=(GRID,),
    in_specs=[_spec_rows, _spec_w, _spec_dp0, _spec_dp1],
    out_specs=_spec_rows, out_shape=_out_g)

_tc_mid = pl.pallas_call(
    _tc_mid_body, grid=(GRID,),
    in_specs=[_spec_p0, _spec_p1, _spec_rows, _spec_dp0, _spec_dp1,
              _spec_b, _spec_w],
    out_specs=_spec_rows, out_shape=_out_g)

_tc_final = pl.pallas_call(
    _tc_final_body, grid=(GRID,),
    in_specs=[_spec_p0, _spec_p1, _spec_rows, _spec_dp0, _spec_dp1, _spec_b],
    out_specs=_spec_rows, out_shape=_out_rows)


def kernel(x, edge_index, state, W1, b1, W2, b2, W3, b3):
    src = edge_index[0].astype(jnp.int32)
    dst = edge_index[1].astype(jnp.int32)
    pad = EPAD - E
    src_r = jnp.concatenate(
        [src, jnp.zeros((pad,), jnp.int32)]).reshape(NCHT, K)
    dst_r2 = jnp.concatenate(
        [dst, jnp.full((pad,), N, jnp.int32)]).reshape(NCHT, K)
    dst_r = dst_r2.reshape(NW, NCH, K)

    zeros_t = jnp.zeros((NP, D), jnp.float32)
    ones_t = jnp.ones((K, D), jnp.float32)
    dp = _sc_degree(dst_r, zeros_t, ones_t)

    b1r, b2r, b3r = (b.reshape(1, D) for b in (b1, b2, b3))

    g1 = _tc_first(x, W1, dp, dp)
    p1 = _sc_aggregate(g1, src_r, dst_r2)
    g2 = _tc_mid(p1, p1, g1, dp, dp, b1r, W2)
    p2 = _sc_aggregate(g2, src_r, dst_r2)
    g3 = _tc_mid(p2, p2, g2, dp, dp, b2r, W3)
    p3 = _sc_aggregate(g3, src_r, dst_r2)
    out = _tc_final(p3, p3, g3, dp, dp, b3r)
    return out

# --- scband reference (transcript-rebuilt; emitter-appended) ---
"""Pipeline reference for scband-gcn-20220706029992 (READ-ONLY COPY).

The authoritative reference and input builder live on the scoring server;
editing this copy changes nothing except your own understanding.
"""

import jax, jax.numpy as jnp
import numpy as np

N_NODES = 10000
N_EDGES = 320000
D_IN = 128
D_HID = 128
D_OUT = 128


def gcn_conv(x, W, b, edge_index, n_nodes):
    # PyG GCNConv semantics: add self-loops, symmetric normalization,
    # linear transform, scatter-add aggregation, then bias.
    src = edge_index[0]
    dst = edge_index[1]
    loop = jnp.arange(n_nodes, dtype=edge_index.dtype)
    src = jnp.concatenate([src, loop])
    dst = jnp.concatenate([dst, loop])
    deg = jnp.zeros((n_nodes,), dtype=x.dtype).at[dst].add(1.0)
    deg_inv_sqrt = jnp.where(deg > 0, deg ** -0.5, 0.0)
    norm = deg_inv_sqrt[src] * deg_inv_sqrt[dst]
    h = x @ W
    msg = h[src] * norm[:, None]
    out = jnp.zeros((n_nodes, W.shape[1]), dtype=x.dtype).at[dst].add(msg)
    return out + b


def setup_inputs(seed: int = 0) -> dict:
    key = jax.random.key(seed)
    ks = jax.random.split(key, 8)
    x = jax.random.normal(ks[0], (N_NODES, D_IN), dtype=jnp.float32)
    edge_index = jax.random.randint(ks[1], (2, N_EDGES), 0, N_NODES, dtype=jnp.int64 if jax.config.jax_enable_x64 else jnp.int32)
    W1 = jax.random.normal(ks[2], (D_IN, D_HID), dtype=jnp.float32) * (1.0 / np.sqrt(D_IN))
    b1 = jnp.zeros((D_HID,), dtype=jnp.float32)
    W2 = jax.random.normal(ks[3], (D_HID, D_HID), dtype=jnp.float32) * (1.0 / np.sqrt(D_HID))
    b2 = jnp.zeros((D_HID,), dtype=jnp.float32)
    W3 = jax.random.normal(ks[4], (D_HID, D_OUT), dtype=jnp.float32) * (1.0 / np.sqrt(D_HID))
    b3 = jnp.zeros((D_OUT,), dtype=jnp.float32)
    return {"x": x, "edge_index": edge_index, "state": 0, "W1": W1, "b1": b1, "W2": W2, "b2": b2, "W3": W3, "b3": b3}


def reference(x, edge_index, state, W1, b1, W2, b2, W3, b3):
    n = x.shape[0]
    # state=0 path (eval mode: no dropout; dropout is identity in expectation-free eval)
    h = gcn_conv(x, W1, b1, edge_index, n)
    h = jax.nn.relu(h)
    h = gcn_conv(h, W2, b2, edge_index, n)
    h = jax.nn.relu(h)
    out = gcn_conv(h, W3, b3, edge_index, n)
    return out

if __name__ == "__main__":
    import jax
    _d = setup_inputs()
    print(jax.jit(kernel)(*tuple(_d.values())))

</pallas_src>

<mosaic_0001>
#map = affine_map<(d0, d1) -> (0, 0, 0)>
#map1 = affine_map<(d0, d1) -> (0, 0)>
module attributes {stable_mosaic.version = 14 : i64} {
  func.func @k(%arg0: i32, %arg1: i32, %arg2: memref<32x80x128xi32, #tpu.memory_space<hbm>>, %arg3: memref<10240x128xf32, #tpu.memory_space<hbm>>, %arg4: memref<128x128xf32, #tpu.memory_space<hbm>>, %arg5: memref<2x10240x128xf32, #tpu.memory_space<hbm>>, %arg6: memref<80x128xi32, #tpu.memory_space<vmem>>, %arg7: memref<128x128xf32, #tpu.memory_space<vmem>>, %arg8: memref<10240x128xf32, #tpu.memory_space<vmem_shared>>, %arg9: memref<!tpu.dma_semaphore, #tpu.memory_space<semaphore_mem>>) attributes {dimension_semantics = [#tpu.dimension_semantics<core_parallel>, #tpu.dimension_semantics<subcore_parallel>], iteration_bounds = array<i64: 2, 16>, scalar_prefetch = 0 : i64, scratch_operands = 4 : i64, tpu.core_type = #tpu.core_type<sc_vector_subcore>, window_params = [{transform_indices = #map}, {transform_indices = #map1}, {transform_indices = #map1}, {transform_indices = #map}]} {
    %mul3A = arith.constant 16 : i32
    %mul3A_0 = arith.muli %arg0, %mul3A : i32
    %add3A = arith.addi %mul3A_0, %arg1 : i32
    %mul3A_1 = arith.constant 640 : i32
    %mul3A_2 = arith.muli %arg1, %mul3A_1 : i32
    %mul3A_3 = arith.constant 640 : i32
    %mul3A_4 = arith.muli %arg1, %mul3A_3 : i32
    "tpu.region"() ({
      %run_scoped3A = tpu.sem_alloc : memref<!tpu.dma_semaphore, #tpu.memory_space<semaphore_mem>>
      %dma_start3A = arith.constant 0 : i32
      %dma_start3A_14 = tpu.memref_slice %arg8[%mul3A_4, %dma_start3A] : memref<10240x128xf32, #tpu.memory_space<vmem_shared>> -> memref<640x128xf32, #tpu.memory_space<vmem_shared>>
      %dma_start3A_15 = arith.constant 0 : i32
      %dma_start3A_16 = tpu.memref_slice %arg3[%mul3A_2, %dma_start3A_15] : memref<10240x128xf32, #tpu.memory_space<hbm>> -> memref<640x128xf32, #tpu.memory_space<hbm>>
      tpu.enqueue_dma source(%dma_start3A_16 : memref<640x128xf32, #tpu.memory_space<hbm>>) target(%dma_start3A_14 : memref<640x128xf32, #tpu.memory_space<vmem_shared>>) target_semaphore(%run_scoped3A : memref<!tpu.dma_semaphore, #tpu.memory_space<semaphore_mem>>)
      %dma_wait3A = arith.constant 0 : i32
      %dma_wait3A_17 = tpu.memref_slice %arg8[%mul3A_4, %dma_wait3A] : memref<10240x128xf32, #tpu.memory_space<vmem_shared>> -> memref<640x128xf32, #tpu.memory_space<vmem_shared>>
      %dma_wait3A_18 = arith.constant 0 : i32
      %dma_wait3A_19 = tpu.memref_slice %arg3[%mul3A_2, %dma_wait3A_18] : memref<10240x128xf32, #tpu.memory_space<hbm>> -> memref<640x128xf32, #tpu.memory_space<hbm>>
      tpu.wait_dma2 semaphore(%run_scoped3A : memref<!tpu.dma_semaphore, #tpu.memory_space<semaphore_mem>>) src(%dma_wait3A_19 : memref<640x128xf32, #tpu.memory_space<hbm>>) dst(%dma_wait3A_17 : memref<640x128xf32, #tpu.memory_space<vmem_shared>>)
      tpu.yield
    }) : () -> ()
    "tpu.region"() ({
      %run_scoped3A = tpu.sem_alloc : memref<!tpu.dma_semaphore, #tpu.memory_space<semaphore_mem>>
      tpu.enqueue_dma source(%arg4 : memref<128x128xf32, #tpu.memory_space<hbm>>) target(%arg7 : memref<128x128xf32, #tpu.memory_space<vmem>>) target_semaphore(%run_scoped3A : memref<!tpu.dma_semaphore, #tpu.memory_space<semaphore_mem>>)
      tpu.wait_dma2 semaphore(%run_scoped3A : memref<!tpu.dma_semaphore, #tpu.memory_space<semaphore_mem>>) src(%arg4 : memref<128x128xf32, #tpu.memory_space<hbm>>) dst(%arg7 : memref<128x128xf32, #tpu.memory_space<vmem>>)
      tpu.yield
    }) : () -> ()
    "tpu.region"() ({
      %run_scoped3A = tpu.sem_alloc : memref<!tpu.dma_semaphore, #tpu.memory_space<semaphore_mem>>
      %dma_start3A = arith.constant 0 : i32
      %dma_start3A_14 = arith.constant 0 : i32
      %dma_start3A_15 = tpu.memref_slice %arg2[%add3A, %dma_start3A, %dma_start3A_14] : memref<32x80x128xi32, #tpu.memory_space<hbm>> -> memref<1x80x128xi32, #tpu.memory_space<hbm>>
      %dma_start3A_16 = tpu.memref_squeeze %dma_start3A_15 : memref<1x80x128xi32, #tpu.memory_space<hbm>> -> memref<80x128xi32, #tpu.memory_space<hbm>>
      %dma_start3A_17 = arith.constant 0 : i32
      %dma_start3A_18 = arith.constant 0 : i32
      %dma_start3A_19 = tpu.memref_slice %arg2[%add3A, %dma_start3A_17, %dma_start3A_18] : memref<32x80x128xi32, #tpu.memory_space<hbm>> -> memref<1x80x128xi32, #tpu.memory_space<hbm>>
      %dma_start3A_20 = tpu.memref_squeeze %dma_start3A_19 : memref<1x80x128xi32, #tpu.memory_space<hbm>> -> memref<80x128xi32, #tpu.memory_space<hbm>>
      tpu.enqueue_dma source(%dma_start3A_20 : memref<80x128xi32, #tpu.memory_space<hbm>>) target(%arg6 : memref<80x128xi32, #tpu.memory_space<vmem>>) target_semaphore(%run_scoped3A : memref<!tpu.dma_semaphore, #tpu.memory_space<semaphore_mem>>)
      %dma_wait3A = arith.constant 0 : i32
      %dma_wait3A_21 = arith.constant 0 : i32
      %dma_wait3A_22 = tpu.memref_slice %arg2[%add3A, %dma_wait3A, %dma_wait3A_21] : memref<32x80x128xi32, #tpu.memory_space<hbm>> -> memref<1x80x128xi32, #tpu.memory_space<hbm>>
      %dma_wait3A_23 = tpu.memref_squeeze %dma_wait3A_22 : memref<1x80x128xi32, #tpu.memory_space<hbm>> -> memref<80x128xi32, #tpu.memory_space<hbm>>
      %dma_wait3A_24 = arith.constant 0 : i32
      %dma_wait3A_25 = arith.constant 0 : i32
      %dma_wait3A_26 = tpu.memref_slice %arg2[%add3A, %dma_wait3A_24, %dma_wait3A_25] : memref<32x80x128xi32, #tpu.memory_space<hbm>> -> memref<1x80x128xi32, #tpu.memory_space<hbm>>
      %dma_wait3A_27 = tpu.memref_squeeze %dma_wait3A_26 : memref<1x80x128xi32, #tpu.memory_space<hbm>> -> memref<80x128xi32, #tpu.memory_space<hbm>>
      tpu.wait_dma2 semaphore(%run_scoped3A : memref<!tpu.dma_semaphore, #tpu.memory_space<semaphore_mem>>) src(%dma_wait3A_27 : memref<80x128xi32, #tpu.memory_space<hbm>>) dst(%arg6 : memref<80x128xi32, #tpu.memory_space<vmem>>)
      tpu.yield
    }) : () -> ()
    %barrier3A = arith.constant 0 : index
    tpu.barrier barrier_id(%barrier3A)
    %scan3A = arith.constant 0 : i32
    %scan3A_5 = arith.constant 10 : i32
    %scan3A_6 = arith.addi %scan3A, %scan3A_5 : i32
    %scan3A_7 = arith.constant 1 : i32
    scf.for %scan3A_14 = %scan3A to %scan3A_6 step %scan3A_7  : i32 {
      %mul3A_15 = arith.constant 8 : i32
      %mul3A_16 = arith.muli %scan3A_14, %mul3A_15 : i32
      %add3A_17 = arith.constant 0 : i32
      %add3A_18 = arith.addi %add3A_17, %mul3A_16 : i32
      %add3A_19 = arith.constant 0 : i32
      %add3A_20 = arith.addi %add3A_18, %add3A_19 : i32
      %dma_start3A = arith.constant 0 : i32
      %dma_start3A_21 = tpu.memref_slice %arg6[%add3A_20, %dma_start3A] : memref<80x128xi32, #tpu.memory_space<vmem>> -> memref<1x128xi32, #tpu.memory_space<vmem>>
      %dma_start3A_22 = tpu.memref_squeeze %dma_start3A_21 : memref<1x128xi32, #tpu.memory_space<vmem>> -> memref<128xi32, #tpu.memory_space<vmem>>
      %dma_start3A_23 = arith.constant 0 : i32
      %dma_start3A_24 = arith.constant 0 : i32
      %dma_start3A_25 = tpu.memref_slice %arg8[%dma_start3A_23, %dma_start3A_24] : memref<10240x128xf32, #tpu.memory_space<vmem_shared>> -> memref<10240x128xf32, #tpu.memory_space<vmem_shared>>
      tpu.enqueue_indirect_dma source(%arg7 : memref<128x128xf32, #tpu.memory_space<vmem>>) target(%dma_start3A_25 : memref<10240x128xf32, #tpu.memory_space<vmem_shared>>) offsets(%dma_start3A_22 : memref<128xi32, #tpu.memory_space<vmem>>) semaphore(%arg9 : memref<!tpu.dma_semaphore, #tpu.memory_space<semaphore_mem>>) {add = true}
      %add3A_26 = arith.constant 1 : i32
      %add3A_27 = arith.addi %add3A_18, %add3A_26 : i32
      %dma_start3A_28 = arith.constant 0 : i32
      %dma_start3A_29 = tpu.memref_slice %arg6[%add3A_27, %dma_start3A_28] : memref<80x128xi32, #tpu.memory_space<vmem>> -> memref<1x128xi32, #tpu.memory_space<vmem>>
      %dma_start3A_30 = tpu.memref_squeeze %dma_start3A_29 : memref<1x128xi32, #tpu.memory_space<vmem>> -> memref<128xi32, #tpu.memory_space<vmem>>
      %dma_start3A_31 = arith.constant 0 : i32
      %dma_start3A_32 = arith.constant 0 : i32
      %dma_start3A_33 = tpu.memref_slice %arg8[%dma_start3A_31, %dma_start3A_32] : memref<10240x128xf32, #tpu.memory_space<vmem_shared>> -> memref<10240x128xf32, #tpu.memory_space<vmem_shared>>
      tpu.enqueue_indirect_dma source(%arg7 : memref<128x128xf32, #tpu.memory_space<vmem>>) target(%dma_start3A_33 : memref<10240x128xf32, #tpu.memory_space<vmem_shared>>) offsets(%dma_start3A_30 : memref<128xi32, #tpu.memory_space<vmem>>) semaphore(%arg9 : memref<!tpu.dma_semaphore, #tpu.memory_space<semaphore_mem>>) {add = true}
      %add3A_34 = arith.constant 2 : i32
      %add3A_35 = arith.addi %add3A_18, %add3A_34 : i32
      %dma_start3A_36 = arith.constant 0 : i32
      %dma_start3A_37 = tpu.memref_slice %arg6[%add3A_35, %dma_start3A_36] : memref<80x128xi32, #tpu.memory_space<vmem>> -> memref<1x128xi32, #tpu.memory_space<vmem>>
      %dma_start3A_38 = tpu.memref_squeeze %dma_start3A_37 : memref<1x128xi32, #tpu.memory_space<vmem>> -> memref<128xi32, #tpu.memory_space<vmem>>
      %dma_start3A_39 = arith.constant 0 : i32
      %dma_start3A_40 = arith.constant 0 : i32
      %dma_start3A_41 = tpu.memref_slice %arg8[%dma_start3A_39, %dma_start3A_40] : memref<10240x128xf32, #tpu.memory_space<vmem_shared>> -> memref<10240x128xf32, #tpu.memory_space<vmem_shared>>
      tpu.enqueue_indirect_dma source(%arg7 : memref<128x128xf32, #tpu.memory_space<vmem>>) target(%dma_start3A_41 : memref<10240x128xf32, #tpu.memory_space<vmem_shared>>) offsets(%dma_start3A_38 : memref<128xi32, #tpu.memory_space<vmem>>) semaphore(%arg9 : memref<!tpu.dma_semaphore, #tpu.memory_space<semaphore_mem>>) {add = true}
      %add3A_42 = arith.constant 3 : i32
      %add3A_43 = arith.addi %add3A_18, %add3A_42 : i32
      %dma_start3A_44 = arith.constant 0 : i32
      %dma_start3A_45 = tpu.memref_slice %arg6[%add3A_43, %dma_start3A_44] : memref<80x128xi32, #tpu.memory_space<vmem>> -> memref<1x128xi32, #tpu.memory_space<vmem>>
      %dma_start3A_46 = tpu.memref_squeeze %dma_start3A_45 : memref<1x128xi32, #tpu.memory_space<vmem>> -> memref<128xi32, #tpu.memory_space<vmem>>
      %dma_start3A_47 = arith.constant 0 : i32
      %dma_start3A_48 = arith.constant 0 : i32
      %dma_start3A_49 = tpu.memref_slice %arg8[%dma_start3A_47, %dma_start3A_48] : memref<10240x128xf32, #tpu.memory_space<vmem_shared>> -> memref<10240x128xf32, #tpu.memory_space<vmem_shared>>
      tpu.enqueue_indirect_dma source(%arg7 : memref<128x128xf32, #tpu.memory_space<vmem>>) target(%dma_start3A_49 : memref<10240x128xf32, #tpu.memory_space<vmem_shared>>) offsets(%dma_start3A_46 : memref<128xi32, #tpu.memory_space<vmem>>) semaphore(%arg9 : memref<!tpu.dma_semaphore, #tpu.memory_space<semaphore_mem>>) {add = true}
      %add3A_50 = arith.constant 4 : i32
      %add3A_51 = arith.addi %add3A_18, %add3A_50 : i32
      %dma_start3A_52 = arith.constant 0 : i32
      %dma_start3A_53 = tpu.memref_slice %arg6[%add3A_51, %dma_start3A_52] : memref<80x128xi32, #tpu.memory_space<vmem>> -> memref<1x128xi32, #tpu.memory_space<vmem>>
      %dma_start3A_54 = tpu.memref_squeeze %dma_start3A_53 : memref<1x128xi32, #tpu.memory_space<vmem>> -> memref<128xi32, #tpu.memory_space<vmem>>
      %dma_start3A_55 = arith.constant 0 : i32
      %dma_start3A_56 = arith.constant 0 : i32
      %dma_start3A_57 = tpu.memref_slice %arg8[%dma_start3A_55, %dma_start3A_56] : memref<10240x128xf32, #tpu.memory_space<vmem_shared>> -> memref<10240x128xf32, #tpu.memory_space<vmem_shared>>
      tpu.enqueue_indirect_dma source(%arg7 : memref<128x128xf32, #tpu.memory_space<vmem>>) target(%dma_start3A_57 : memref<10240x128xf32, #tpu.memory_space<vmem_shared>>) offsets(%dma_start3A_54 : memref<128xi32, #tpu.memory_space<vmem>>) semaphore(%arg9 : memref<!tpu.dma_semaphore, #tpu.memory_space<semaphore_mem>>) {add = true}
      %add3A_58 = arith.constant 5 : i32
      %add3A_59 = arith.addi %add3A_18, %add3A_58 : i32
      %dma_start3A_60 = arith.constant 0 : i32
      %dma_start3A_61 = tpu.memref_slice %arg6[%add3A_59, %dma_start3A_60] : memref<80x128xi32, #tpu.memory_space<vmem>> -> memref<1x128xi32, #tpu.memory_space<vmem>>
      %dma_start3A_62 = tpu.memref_squeeze %dma_start3A_61 : memref<1x128xi32, #tpu.memory_space<vmem>> -> memref<128xi32, #tpu.memory_space<vmem>>
      %dma_start3A_63 = arith.constant 0 : i32
      %dma_start3A_64 = arith.constant 0 : i32
      %dma_start3A_65 = tpu.memref_slice %arg8[%dma_start3A_63, %dma_start3A_64] : memref<10240x128xf32, #tpu.memory_space<vmem_shared>> -> memref<10240x128xf32, #tpu.memory_space<vmem_shared>>
      tpu.enqueue_indirect_dma source(%arg7 : memref<128x128xf32, #tpu.memory_space<vmem>>) target(%dma_start3A_65 : memref<10240x128xf32, #tpu.memory_space<vmem_shared>>) offsets(%dma_start3A_62 : memref<128xi32, #tpu.memory_space<vmem>>) semaphore(%arg9 : memref<!tpu.dma_semaphore, #tpu.memory_space<semaphore_mem>>) {add = true}
      %add3A_66 = arith.constant 6 : i32
      %add3A_67 = arith.addi %add3A_18, %add3A_66 : i32
      %dma_start3A_68 = arith.constant 0 : i32
      %dma_start3A_69 = tpu.memref_slice %arg6[%add3A_67, %dma_start3A_68] : memref<80x128xi32, #tpu.memory_space<vmem>> -> memref<1x128xi32, #tpu.memory_space<vmem>>
      %dma_start3A_70 = tpu.memref_squeeze %dma_start3A_69 : memref<1x128xi32, #tpu.memory_space<vmem>> -> memref<128xi32, #tpu.memory_space<vmem>>
      %dma_start3A_71 = arith.constant 0 : i32
      %dma_start3A_72 = arith.constant 0 : i32
      %dma_start3A_73 = tpu.memref_slice %arg8[%dma_start3A_71, %dma_start3A_72] : memref<10240x128xf32, #tpu.memory_space<vmem_shared>> -> memref<10240x128xf32, #tpu.memory_space<vmem_shared>>
      tpu.enqueue_indirect_dma source(%arg7 : memref<128x128xf32, #tpu.memory_space<vmem>>) target(%dma_start3A_73 : memref<10240x128xf32, #tpu.memory_space<vmem_shared>>) offsets(%dma_start3A_70 : memref<128xi32, #tpu.memory_space<vmem>>) semaphore(%arg9 : memref<!tpu.dma_semaphore, #tpu.memory_space<semaphore_mem>>) {add = true}
      %add3A_74 = arith.constant 7 : i32
      %add3A_75 = arith.addi %add3A_18, %add3A_74 : i32
      %dma_start3A_76 = arith.constant 0 : i32
      %dma_start3A_77 = tpu.memref_slice %arg6[%add3A_75, %dma_start3A_76] : memref<80x128xi32, #tpu.memory_space<vmem>> -> memref<1x128xi32, #tpu.memory_space<vmem>>
      %dma_start3A_78 = tpu.memref_squeeze %dma_start3A_77 : memref<1x128xi32, #tpu.memory_space<vmem>> -> memref<128xi32, #tpu.memory_space<vmem>>
      %dma_start3A_79 = arith.constant 0 : i32
      %dma_start3A_80 = arith.constant 0 : i32
      %dma_start3A_81 = tpu.memref_slice %arg8[%dma_start3A_79, %dma_start3A_80] : memref<10240x128xf32, #tpu.memory_space<vmem_shared>> -> memref<10240x128xf32, #tpu.memory_space<vmem_shared>>
      tpu.enqueue_indirect_dma source(%arg7 : memref<128x128xf32, #tpu.memory_space<vmem>>) target(%dma_start3A_81 : memref<10240x128xf32, #tpu.memory_space<vmem_shared>>) offsets(%dma_start3A_78 : memref<128xi32, #tpu.memory_space<vmem>>) semaphore(%arg9 : memref<!tpu.dma_semaphore, #tpu.memory_space<semaphore_mem>>) {add = true}
      %add3A_82 = arith.constant 0 : i32
      %add3A_83 = arith.addi %add3A_18, %add3A_82 : i32
      %dma_wait3A = arith.constant 0 : i32
      %dma_wait3A_84 = tpu.memref_slice %arg6[%add3A_83, %dma_wait3A] : memref<80x128xi32, #tpu.memory_space<vmem>> -> memref<1x128xi32, #tpu.memory_space<vmem>>
      %dma_wait3A_85 = tpu.memref_squeeze %dma_wait3A_84 : memref<1x128xi32, #tpu.memory_space<vmem>> -> memref<128xi32, #tpu.memory_space<vmem>>
      %dma_wait3A_86 = arith.constant 0 : i32
      %dma_wait3A_87 = arith.constant 0 : i32
      %dma_wait3A_88 = tpu.memref_slice %arg8[%dma_wait3A_86, %dma_wait3A_87] : memref<10240x128xf32, #tpu.memory_space<vmem_shared>> -> memref<10240x128xf32, #tpu.memory_space<vmem_shared>>
      tpu.wait_indirect_dma semaphore(%arg9 : memref<!tpu.dma_semaphore, #tpu.memory_space<semaphore_mem>>) src(%arg7 : memref<128x128xf32, #tpu.memory_space<vmem>>) dst(%dma_wait3A_88 : memref<10240x128xf32, #tpu.memory_space<vmem_shared>>)
      %add3A_89 = arith.constant 1 : i32
      %add3A_90 = arith.addi %add3A_18, %add3A_89 : i32
      %dma_wait3A_91 = arith.constant 0 : i32
      %dma_wait3A_92 = tpu.memref_slice %arg6[%add3A_90, %dma_wait3A_91] : memref<80x128xi32, #tpu.memory_space<vmem>> -> memref<1x128xi32, #tpu.memory_space<vmem>>
      %dma_wait3A_93 = tpu.memref_squeeze %dma_wait3A_92 : memref<1x128xi32, #tpu.memory_space<vmem>> -> memref<128xi32, #tpu.memory_space<vmem>>
      %dma_wait3A_94 = arith.constant 0 : i32
      %dma_wait3A_95 = arith.constant 0 : i32
      %dma_wait3A_96 = tpu.memref_slice %arg8[%dma_wait3A_94, %dma_wait3A_95] : memref<10240x128xf32, #tpu.memory_space<vmem_shared>> -> memref<10240x128xf32, #tpu.memory_space<vmem_shared>>
      tpu.wait_indirect_dma semaphore(%arg9 : memref<!tpu.dma_semaphore, #tpu.memory_space<semaphore_mem>>) src(%arg7 : memref<128x128xf32, #tpu.memory_space<vmem>>) dst(%dma_wait3A_96 : memref<10240x128xf32, #tpu.memory_space<vmem_shared>>)
      %add3A_97 = arith.constant 2 : i32
      %add3A_98 = arith.addi %add3A_18, %add3A_97 : i32
      %dma_wait3A_99 = arith.constant 0 : i32
      %dma_wait3A_100 = tpu.memref_slice %arg6[%add3A_98, %dma_wait3A_99] : memref<80x128xi32, #tpu.memory_space<vmem>> -> memref<1x128xi32, #tpu.memory_space<vmem>>
      %dma_wait3A_101 = tpu.memref_squeeze %dma_wait3A_100 : memref<1x128xi32, #tpu.memory_space<vmem>> -> memref<128xi32, #tpu.memory_space<vmem>>
      %dma_wait3A_102 = arith.constant 0 : i32
      %dma_wait3A_103 = arith.constant 0 : i32
      %dma_wait3A_104 = tpu.memref_slice %arg8[%dma_wait3A_102, %dma_wait3A_103] : memref<10240x128xf32, #tpu.memory_space<vmem_shared>> -> memref<10240x128xf32, #tpu.memory_space<vmem_shared>>
      tpu.wait_indirect_dma semaphore(%arg9 : memref<!tpu.dma_semaphore, #tpu.memory_space<semaphore_mem>>) src(%arg7 : memref<128x128xf32, #tpu.memory_space<vmem>>) dst(%dma_wait3A_104 : memref<10240x128xf32, #tpu.memory_space<vmem_shared>>)
      %add3A_105 = arith.constant 3 : i32
      %add3A_106 = arith.addi %add3A_18, %add3A_105 : i32
      %dma_wait3A_107 = arith.constant 0 : i32
      %dma_wait3A_108 = tpu.memref_slice %arg6[%add3A_106, %dma_wait3A_107] : memref<80x128xi32, #tpu.memory_space<vmem>> -> memref<1x128xi32, #tpu.memory_space<vmem>>
      %dma_wait3A_109 = tpu.memref_squeeze %dma_wait3A_108 : memref<1x128xi32, #tpu.memory_space<vmem>> -> memref<128xi32, #tpu.memory_space<vmem>>
      %dma_wait3A_110 = arith.constant 0 : i32
      %dma_wait3A_111 = arith.constant 0 : i32
      %dma_wait3A_112 = tpu.memref_slice %arg8[%dma_wait3A_110, %dma_wait3A_111] : memref<10240x128xf32, #tpu.memory_space<vmem_shared>> -> memref<10240x128xf32, #tpu.memory_space<vmem_shared>>
      tpu.wait_indirect_dma semaphore(%arg9 : memref<!tpu.dma_semaphore, #tpu.memory_space<semaphore_mem>>) src(%arg7 : memref<128x128xf32, #tpu.memory_space<vmem>>) dst(%dma_wait3A_112 : memref<10240x128xf32, #tpu.memory_space<vmem_shared>>)
      %add3A_113 = arith.constant 4 : i32
      %add3A_114 = arith.addi %add3A_18, %add3A_113 : i32
      %dma_wait3A_115 = arith.constant 0 : i32
      %dma_wait3A_116 = tpu.memref_slice %arg6[%add3A_114, %dma_wait3A_115] : memref<80x128xi32, #tpu.memory_space<vmem>> -> memref<1x128xi32, #tpu.memory_space<vmem>>
      %dma_wait3A_117 = tpu.memref_squeeze %dma_wait3A_116 : memref<1x128xi32, #tpu.memory_space<vmem>> -> memref<128xi32, #tpu.memory_space<vmem>>
      %dma_wait3A_118 = arith.constant 0 : i32
      %dma_wait3A_119 = arith.constant 0 : i32
      %dma_wait3A_120 = tpu.memref_slice %arg8[%dma_wait3A_118, %dma_wait3A_119] : memref<10240x128xf32, #tpu.memory_space<vmem_shared>> -> memref<10240x128xf32, #tpu.memory_space<vmem_shared>>
      tpu.wait_indirect_dma semaphore(%arg9 : memref<!tpu.dma_semaphore, #tpu.memory_space<semaphore_mem>>) src(%arg7 : memref<128x128xf32, #tpu.memory_space<vmem>>) dst(%dma_wait3A_120 : memref<10240x128xf32, #tpu.memory_space<vmem_shared>>)
      %add3A_121 = arith.constant 5 : i32
      %add3A_122 = arith.addi %add3A_18, %add3A_121 : i32
      %dma_wait3A_123 = arith.constant 0 : i32
      %dma_wait3A_124 = tpu.memref_slice %arg6[%add3A_122, %dma_wait3A_123] : memref<80x128xi32, #tpu.memory_space<vmem>> -> memref<1x128xi32, #tpu.memory_space<vmem>>
      %dma_wait3A_125 = tpu.memref_squeeze %dma_wait3A_124 : memref<1x128xi32, #tpu.memory_space<vmem>> -> memref<128xi32, #tpu.memory_space<vmem>>
      %dma_wait3A_126 = arith.constant 0 : i32
      %dma_wait3A_127 = arith.constant 0 : i32
      %dma_wait3A_128 = tpu.memref_slice %arg8[%dma_wait3A_126, %dma_wait3A_127] : memref<10240x128xf32, #tpu.memory_space<vmem_shared>> -> memref<10240x128xf32, #tpu.memory_space<vmem_shared>>
      tpu.wait_indirect_dma semaphore(%arg9 : memref<!tpu.dma_semaphore, #tpu.memory_space<semaphore_mem>>) src(%arg7 : memref<128x128xf32, #tpu.memory_space<vmem>>) dst(%dma_wait3A_128 : memref<10240x128xf32, #tpu.memory_space<vmem_shared>>)
      %add3A_129 = arith.constant 6 : i32
      %add3A_130 = arith.addi %add3A_18, %add3A_129 : i32
      %dma_wait3A_131 = arith.constant 0 : i32
      %dma_wait3A_132 = tpu.memref_slice %arg6[%add3A_130, %dma_wait3A_131] : memref<80x128xi32, #tpu.memory_space<vmem>> -> memref<1x128xi32, #tpu.memory_space<vmem>>
      %dma_wait3A_133 = tpu.memref_squeeze %dma_wait3A_132 : memref<1x128xi32, #tpu.memory_space<vmem>> -> memref<128xi32, #tpu.memory_space<vmem>>
      %dma_wait3A_134 = arith.constant 0 : i32
      %dma_wait3A_135 = arith.constant 0 : i32
      %dma_wait3A_136 = tpu.memref_slice %arg8[%dma_wait3A_134, %dma_wait3A_135] : memref<10240x128xf32, #tpu.memory_space<vmem_shared>> -> memref<10240x128xf32, #tpu.memory_space<vmem_shared>>
      tpu.wait_indirect_dma semaphore(%arg9 : memref<!tpu.dma_semaphore, #tpu.memory_space<semaphore_mem>>) src(%arg7 : memref<128x128xf32, #tpu.memory_space<vmem>>) dst(%dma_wait3A_136 : memref<10240x128xf32, #tpu.memory_space<vmem_shared>>)
      %add3A_137 = arith.constant 7 : i32
      %add3A_138 = arith.addi %add3A_18, %add3A_137 : i32
      %dma_wait3A_139 = arith.constant 0 : i32
      %dma_wait3A_140 = tpu.memref_slice %arg6[%add3A_138, %dma_wait3A_139] : memref<80x128xi32, #tpu.memory_space<vmem>> -> memref<1x128xi32, #tpu.memory_space<vmem>>
      %dma_wait3A_141 = tpu.memref_squeeze %dma_wait3A_140 : memref<1x128xi32, #tpu.memory_space<vmem>> -> memref<128xi32, #tpu.memory_space<vmem>>
      %dma_wait3A_142 = arith.constant 0 : i32
      %dma_wait3A_143 = arith.constant 0 : i32
      %dma_wait3A_144 = tpu.memref_slice %arg8[%dma_wait3A_142, %dma_wait3A_143] : memref<10240x128xf32, #tpu.memory_space<vmem_shared>> -> memref<10240x128xf32, #tpu.memory_space<vmem_shared>>
      tpu.wait_indirect_dma semaphore(%arg9 : memref<!tpu.dma_semaphore, #tpu.memory_space<semaphore_mem>>) src(%arg7 : memref<128x128xf32, #tpu.memory_space<vmem>>) dst(%dma_wait3A_144 : memref<10240x128xf32, #tpu.memory_space<vmem_shared>>)
    }
    %scan3A_8 = arith.constant 10 : i32
    %barrier3A_9 = arith.constant 0 : index
    tpu.barrier barrier_id(%barrier3A_9)
    %mul3A_10 = arith.constant 640 : i32
    %mul3A_11 = arith.muli %arg1, %mul3A_10 : i32
    %mul3A_12 = arith.constant 640 : i32
    %mul3A_13 = arith.muli %arg1, %mul3A_12 : i32
    "tpu.region"() ({
      %run_scoped3A = tpu.sem_alloc : memref<!tpu.dma_semaphore, #tpu.memory_space<semaphore_mem>>
      %dma_start3A = arith.constant 0 : i32
      %dma_start3A_14 = tpu.memref_slice %arg5[%arg0, %mul3A_13, %dma_start3A] : memref<2x10240x128xf32, #tpu.memory_space<hbm>> -> memref<1x640x128xf32, #tpu.memory_space<hbm>>
      %dma_start3A_15 = tpu.memref_squeeze %dma_start3A_14 : memref<1x640x128xf32, #tpu.memory_space<hbm>> -> memref<640x128xf32, #tpu.memory_space<hbm>>
      %dma_start3A_16 = arith.constant 0 : i32
      %dma_start3A_17 = tpu.memref_slice %arg8[%mul3A_11, %dma_start3A_16] : memref<10240x128xf32, #tpu.memory_space<vmem_shared>> -> memref<640x128xf32, #tpu.memory_space<vmem_shared>>
      tpu.enqueue_dma source(%dma_start3A_17 : memref<640x128xf32, #tpu.memory_space<vmem_shared>>) target(%dma_start3A_15 : memref<640x128xf32, #tpu.memory_space<hbm>>) target_semaphore(%run_scoped3A : memref<!tpu.dma_semaphore, #tpu.memory_space<semaphore_mem>>)
      %dma_wait3A = arith.constant 0 : i32
      %dma_wait3A_18 = tpu.memref_slice %arg5[%arg0, %mul3A_13, %dma_wait3A] : memref<2x10240x128xf32, #tpu.memory_space<hbm>> -> memref<1x640x128xf32, #tpu.memory_space<hbm>>
      %dma_wait3A_19 = tpu.memref_squeeze %dma_wait3A_18 : memref<1x640x128xf32, #tpu.memory_space<hbm>> -> memref<640x128xf32, #tpu.memory_space<hbm>>
      %dma_wait3A_20 = arith.constant 0 : i32
      %dma_wait3A_21 = tpu.memref_slice %arg8[%mul3A_11, %dma_wait3A_20] : memref<10240x128xf32, #tpu.memory_space<vmem_shared>> -> memref<640x128xf32, #tpu.memory_space<vmem_shared>>
      tpu.wait_dma2 semaphore(%run_scoped3A : memref<!tpu.dma_semaphore, #tpu.memory_space<semaphore_mem>>) src(%dma_wait3A_21 : memref<640x128xf32, #tpu.memory_space<vmem_shared>>) dst(%dma_wait3A_19 : memref<640x128xf32, #tpu.memory_space<hbm>>)
      tpu.yield
    }) : () -> ()
    return
  }
}

</mosaic_0001>

<sc_bundles>
// kernel: _sc_degree.3.cloned.1.call-start
scs
__scs_entry_jumppad:
0x0: {  	(pc) =	sbr.rel $0x88, $3  }
0x1: {  	(tag) =	ssettag $0x0;
	lr =	simm.s32 $0x1  }
0x2: {  	[smem:$0x3F9E] =	sst lr;
	_ =	strace $0xD0000000  }
0x3: {  	_ = 	snop  }
0x4: {  	_ = 	snop  }
0x5: {  	_ = 	snop  }
0x6: {  	_ = 	snop  }
0x7: {  	_ = 	snop  }
__scs_overlays_trampoline_lowered:
0x8: {  	[smem:$0x3FAD] =	sst s0  }
0x9: {  	[smem:$0x3FAE] =	sst s1  }
0xa: {  	[smem:$0x3FAF] =	sst s2  }
0xb: {  	[smem:$0x3FB0] =	sst s3  }
0xc: {  	[smem:$0x3FB1] =	sst s4  }
0xd: {  	[smem:$0x3FB2] =	sst s5  }
0xe: {  	[smem:$0x3FB3] =	sst s6  }
0xf: {  	[smem:$0x3FB4] =	sst s7  }
0x10: {  	[smem:$0x3FB5] =	sst s8  }
0x11: {  	[smem:$0x3FB6] =	sst s9;
	s0 =	simm.s32 @!p0 $0x0  }
0x12: {  	s1 =	sld [smem:$0x3F9C];
	s0 =	simm.s32 @p0 $0x1  }
0x13: {  	[smem:$0x3FB7] =	sst s0;
	s0 =	simm.s32 @!p1 $0x0  }
0x14: {  	s2 =	sld [smem:$0x3F9B];
	s0 =	simm.s32 @p1 $0x1  }
0x15: {  	[smem:$0x3FB8] =	sst s0;
	s0 =	simm.s32 @!p2 $0x0  }
0x16: {  	s3 =	sld [smem:$0x3FDB];
	s0 =	simm.s32 @p2 $0x1  }
0x17: {  	s4 =	simm.s32 $0x1BF5;
	[smem:$0x3FBA] =	sst s0  }
0x18: {  	s0 =	sld [smem:$0x3F9D];
	_ =	swait.ge [sflag:s4], $0x0  }
0x19: {  	s7 =	sld [smem:$0x3F9E]  }
0x1a: {  	s8 =	sadd.s32 $0xFFFFE003, lr  }
0x1b: {  	s9 =	sadd.s32 $0xFFFFFEF7, lr;
	s5 =	simm.s32 $0xFFFFFFFF;
	p2 =	slt.u32 s8, $0xFFFFF086  }
0x1c: {  	p1 =	slt.u32 s9, $0xF7A;
	s5 =	simm.s32 @!p2 $0x0  }
0x1d: {  	s5 =	simm.s32 @p1 $0x1;
	p0 =	seq.s32 s7, s2  }
0x1e: {  	s7 =	smul.u32 @!p0 $0xF7A, s2;
	p2 =	seq.s32 @!p0 s5, $0x0  }
0x1f: {  	s9 =	smul.u32 $0xF7A, s1;
	s8 =	simm.s32 @!p0 $0x1BF5;
	p2 =	por !p2, p0  }
0x20: {  	[sflag:s8] =	ssyncset.s32 @!p0 $0xFFFFF086;
	s6 =	sadd.s32 @!p0 s3, s7;
	s7 =	simm.s32 @!p0 $0x108  }
0x21: {  	s3 =	sadd.s32 s3, s9;
	s6 =	sadd.s32 @!p0 $0x88, s6;
	s7 =	simm.s32 @p2 $0x1082  }
0x22: {  	[simem:s7], [sflag:s8] =	dma.local @!p0 [hbm:s6], $0xF7A  }
0x23: {  	s9 =	sor.u32 $0xD0000000, s2;
	s6 =	simm.s32 $0x108;
	_ =	swait.ge @!p0 [sflag:s8], $0x0  }
0x24: {  	s3 =	sadd.s32 $0x88, s3;
	s6 =	simm.s32 @!p1 $0x1082;
	[sflag:s4] =	ssyncset.s32 $0xFFFFF086  }
0x25: {  	[simem:s6], [sflag:s4] =	dma.local [hbm:s3], $0xF7A  }
0x26: {  	[smem:$0x3F9E] =	sst s1;
	(tag) =	ssettag s2;
	_ =	strace s9  }
0x27: {  	s1 =	sld [smem:$0x3FAE]  }
0x28: {  	s2 =	sld [smem:$0x3FAF]  }
0x29: {  	s4 =	sld [smem:$0x3FB1]  }
0x2a: {  	p0 =	seq.s32 s5, $0x0;
	s5 =	sld [smem:$0x3FB2]  }
0x2b: {  	s6 =	sld [smem:$0x3FB3]  }
0x2c: {  	s7 =	sld [smem:$0x3FB4]  }
0x2d: {  	s3 =	simm.s32 $0x108;
	s8 =	sld [smem:$0x3FB5]  }
0x2e: {  	s3 =	simm.s32 @!p0 $0x1082;
	s9 =	sld [smem:$0x3FB6]  }
0x2f: {  	lr =	sadd.s32 s0, s3;
	s0 =	sld [smem:$0x3FAD]  }
0x30: {  	s3 =	sld [smem:$0x3FB0]  }
0x31: {  	[smem:$0x3FB9] =	sst s10  }
0x32: {  	s10 =	sld [smem:$0x3FB7];
	_ =	sdelay $0x3  }
0x33: {  	p0 =	seq.s32 s10, $0x1;
	s10 =	sld [smem:$0x3FB9];
	_ =	sdelay $0x3  }
0x34: {  	[smem:$0x3FB9] =	sst s10  }
0x35: {  	s10 =	sld [smem:$0x3FB8];
	_ =	sdelay $0x3  }
0x36: {  	p1 =	seq.s32 s10, $0x1;
	s10 =	sld [smem:$0x3FB9];
	_ =	sdelay $0x3  }
0x37: {  	[smem:$0x3FB9] =	sst s10  }
0x38: {  	s10 =	sld [smem:$0x3FBA]  }
0x39: {  	_ = 	snop;
	(pc) =	sbr.ind lr, $3  }
0x3a: {  	_ = 	snop  }
0x3b: {  	_ = 	snop  }
0x3c: {  	p2 =	seq.s32 s10, $0x1;
	s10 =	sld [smem:$0x3FB9]  }
0x3d: {  	_ =	shalt  }
0x3e: {  	_ =	shalt  }
0x3f: {  	_ =	shalt  }
0x40: {  	_ =	shalt  }
0x41: {  	_ =	shalt  }
0x42: {  	_ =	shalt  }
0x43: {  	_ =	shalt  }
0x44: {  	_ =	shalt  }
0x45: {  	_ =	shalt  }
0x46: {  	_ =	shalt  }
0x47: {  	_ =	shalt  }
0x48: {  	_ =	shalt  }
0x49: {  	_ =	shalt  }
0x4a: {  	_ =	shalt  }
0x4b: {  	_ =	shalt  }
0x4c: {  	_ =	shalt  }
0x4d: {  	_ =	shalt  }
0x4e: {  	_ =	shalt  }
0x4f: {  	_ =	shalt  }
0x50: {  	_ =	shalt  }
0x51: {  	_ =	shalt  }
0x52: {  	_ =	shalt  }
0x53: {  	_ =	shalt  }
0x54: {  	_ =	shalt  }
0x55: {  	_ =	shalt  }
0x56: {  	_ =	shalt  }
0x57: {  	_ =	shalt  }
0x58: {  	_ =	shalt  }
0x59: {  	_ =	shalt  }
0x5a: {  	_ =	shalt  }
0x5b: {  	_ =	shalt  }
0x5c: {  	_ =	shalt  }
0x5d: {  	_ =	shalt  }
0x5e: {  	_ =	shalt  }
0x5f: {  	_ =	shalt  }
0x60: {  	_ =	shalt  }
0x61: {  	_ =	shalt  }
0x62: {  	_ =	shalt  }
0x63: {  	_ =	shalt  }
0x64: {  	_ =	shalt  }
0x65: {  	_ =	shalt  }
0x66: {  	_ =	shalt  }
0x67: {  	_ =	shalt  }
0x68: {  	_ =	shalt  }
0x69: {  	_ =	shalt  }
0x6a: {  	_ =	shalt  }
0x6b: {  	_ =	shalt  }
0x6c: {  	_ =	shalt  }
0x6d: {  	_ =	shalt  }
0x6e: {  	_ =	shalt  }
0x6f: {  	_ =	shalt  }
0x70: {  	_ =	shalt  }
0x71: {  	_ =	shalt  }
0x72: {  	_ =	shalt  }
0x73: {  	_ =	shalt  }
0x74: {  	_ =	shalt  }
0x75: {  	_ =	shalt  }
0x76: {  	_ =	shalt  }
0x77: {  	_ =	shalt  }
0x78: {  	_ =	shalt  }
0x79: {  	_ =	shalt  }
0x7a: {  	_ =	shalt  }
0x7b: {  	_ =	shalt  }
0x7c: {  	_ =	shalt  }
0x7d: {  	_ =	shalt  }
0x7e: {  	_ =	shalt  }
0x7f: {  	_ =	shalt  }
0x80: {  	_ =	shalt  }
0x81: {  	_ =	shalt  }
0x82: {  	_ =	shalt  }
0x83: {  	_ =	shalt  }
0x84: {  	_ =	shalt  }
0x85: {  	_ =	shalt  }
0x86: {  	_ =	shalt  }
0x87: {  	_ =	shalt  }
.Lfunc_end0:
.L_simem_size_0:
called_computation_lowered:
.L_overlay_start_0:
0x88: {  	s2 =	sld [smem:$0x3FD9]  }
0x89: {  	s3 =	sld [smem:$0x3FFE];
	_ =	sdelay $0x1  }
0x8a: {  	s1 =	srdreg.scid  }
0x8b: {  	s0 =	sand.u32 $0x1, s1  }
0x8c: {  	s18 =	sshll.u32 s0, $0xA;
	s2 =	sadd.s32 s3, s2  }
0x8d: {  	s2 =	sadd.s32 s2, s18  }
0x8e: {  	[smem:$0x3FC5] =	sst s2  }
0x8f: {  	_ = 	snop  }
0x90: {  	s2 =	sld [smem:$0x3FC9]  }
0x91: {  	s19 =	sld [smem:$0x3FC8]  }
0x92: {  	s4 =	sld [smem:$0x3FC7]  }
0x93: {  	s5 =	sld [smem:$0x3FD0];
	(tm) =	ssettm $0x1  }
0x94: {  	s6 =	sld [smem:$0x3FFB];
	_ =	sdelay $0x3  }
0x95: {  	_ =	strace s6  }
0x96: {  	s6 =	sld [smem:$0x3FFC];
	_ =	sdelay $0x3  }
0x97: {  	_ =	strace s6  }
0x98: {  	s6 =	sld [smem:$0x3FFD];
	_ =	sdelay $0x3  }
0x99: {  	_ =	strace s6  }
0x9a: {  	_ =	strace $0x8FFFFFFF  }
0x9b: {  	s20 =	sld [smem:$0x3FDB];
	_ =	sdelay $0x1  }
0x9c: {  	s7 =	simm.s32 $_scs_section_size  }
0x9d: {  	s8 =	simm.s32 $_size__tile_overlayer_lowered;
	s9 =	simm.s32 $_tile_overlayer_lowered  }
0x9e: {  	s23 =	simm.s32 $0x1BFF;
	s22 =	sshll.u32 s9, $0x1;
	s6 =	sadd.s32 s7, s20  }
0x9f: {  	s10 =	simm.s32 $0x0;
	s21 =	sshll.u32 s8, $0x1;
	s8 =	sadd.s32 s22, s6  }
0xa0: {  	[timem:s10], [sflag:s23] =	dma.local [hbm:s8], s21  }
0xa1: {  	_ =	swait.ge [sflag:s23], s21  }
0xa2: {  	s7 =	ssub.s32 $0x0, s21;
	[sflag:s23] =	ssyncset.done $0x0  }
0xa3: {  	[sflag:s23] =	ssyncadd.s32 s7;
	_ =	sdelay $0x1  }
0xa4: {  	s24 =	simm.s32 $0x1B8B  }
0xa5: {  	_ =	swait.ge [sflag:s24], $0x1  }
0xa6: {  	[sflag:s24] =	ssyncset.done $0x0  }
0xa7: {  	s25 =	simm.s32 $0x1B8E;
	[sflag:s24] =	ssyncadd.s32 $0xFFFFFFFF  }
0xa8: {  	s26 =	simm.s32 $execute0_lowered;
	[smem:$0x3FD2] =	sst s25  }
0xa9: {  	s7 =	sshll.u32 s26, $0x1;
	_ =	strace $0x80000046;
	[dreg:$0x1] =	wrdreg $0xFFFFFFFF  }
0xaa: {  	s28 =	simm.s32 $_size_execute0_lowered;
	s6 =	sadd.s32 s6, s7;
	[dreg:$0x0] =	wrdreg $0x0  }
0xab: {  	s7 =	sshll.u32 s28, $0x1;
	[dreg:$0x2] =	wrdreg s6  }
0xac: {  	[dreg:$0x3] =	wrdreg s7  }
0xad: {  	[dreg:$0x4] =	wrdreg $0xC0  }
0xae: {  	_ =	task [dreg:s10], $0x5FFFF  }
0xaf: {  	[dreg:$0x1] =	wrdreg $0xFFFFFFFF  }
0xb0: {  	[dreg:$0x0] =	wrdreg $0x60  }
0xb1: {  	[dreg:$0x2] =	wrdreg s2  }
0xb2: {  	[dreg:$0x3] =	wrdreg s19  }
0xb3: {  	[dreg:$0x4] =	wrdreg s4  }
0xb4: {  	[dreg:$0x5] =	wrdreg s5  }
0xb5: {  	[dreg:$0x6] =	wrdreg $0x68000  }
0xb6: {  	[dreg:$0x7] =	wrdreg $0x9  }
0xb7: {  	_ =	task.clear_ibuf [dreg:s10], $0x8FFFF;
	_ =	strace $0x90000046  }
0xb8: {  	s29 =	simm.s32 $0x9;
	_ =	strace $0x80000048  }
0xb9: {  	_ =	swait.ge [sflag:s29], $0x1  }
0xba: {  	[sflag:s29] =	ssyncadd.s32 $0xFFFFFFFF  }
0xbb: {  	_ =	strace $0x90000048  }
0xbc: {  	_ =	sfence  }
0xbd: {  	s30 =	sld [smem:$0x0];
	_ =	sdelay $0x2  }
0xbe: {  	s31 =	sshll.u32 s1, $0xD;
	s1 =	sshrl.u32 s1, $0x2  }
0xbf: {  	s3 =	sand.u32 $0x4000, s31;
	s1 =	sadd.s32 s1, s30  }
0xc0: {  	s0 =	sor.u32 s3, s0;
	s1 =	sshll.u32 s1, $0x11  }
0xc1: {  	s0 =	sor.u32 s1, s0  }
0xc2: {  	s0 =	sadd.s32 $0x8F2B, s0  }
0xc3: {  	[sflag:s0] =	ssyncadd.remote.s32 $0x1  }
0xc4: {  	_ =	sfence.sel $0xFFFF  }
0xc5: {  	[dreg:$0x0] =	wrdreg $0xFFFFFFFF;
	(pc) =	sbr.abs _section_cstart, $3  }
0xc6: {  	[dreg:$0x1] =	wrdreg $0xFFFFFFFF  }
0xc7: {  	_ =	task.clear_ibuf [dreg:s10], $0x2FFFF;
	_ =	strace $0x9FFFFFFF  }
0xc8: {  	(tm) =	ssettm $0x7FFFFFFF  }
0xc9: {  	_ =	shalt  }
tec
execute0_lowered:
.L_overlay_start_1:
0x0: {  	(tag) =	ssettag $0x1  }
0x1: {  	s7 =	rddreg [dreg:$0x0]  }
0x2: {  	s5 =	rddreg [dreg:$0x1]  }
0x3: {  	s1 =	rddreg [dreg:$0x2]  }
0x4: {  	s8 =	rddreg [dreg:$0x3]  }
0x5: {  	s2 =	rddreg [dreg:$0x4]  }
0x6: {  	s3 =	srdreg.scid;
	s0 =	rddreg [dreg:$0x5];
	s4 =	simm.s32 $0x0  }
0x7: {  	s15 =	simm.s32 $0x0;
	s6 =	sand.u32 $0x1, s3;
	s3 =	stileid.u32  }
0x8: {  	[smem:$0x7FF] =	sst s4;
	s9 =	ssub.s32 $0x2, s6;
	s11 =	smul.u32 $0x50000, s3  }
0x9: {  	_ =	strace $0x80000047;
	s31 =	smul.u32 $0x14000, s3;
	s12 =	sshll.u32 s6, $0x4  }
0xa: {  	s6 =	smul.u32 $0x140000, s6;
	s14 =	sshll.u32 s3, $0x6;
	s10 =	sshrl.u32 s9, $0x1  }
0xb: {  	s12 =	sor.u32 s3, s12;
	s9 =	ssub.s32 s9, s10;
	s11 =	sshrl.u32 s11, $0x2  }
0xc: {  	s13 =	sshrl.u32 s31, $0x3;
	s12 =	smul.u32 $0x500, s12;
	s10 =	sadd.s32 s31, s6  }
0xd: {  	s6 =	sor.u32 $0x1C02, s14;
	s14 =	simm.s32 $0x1;
	s11 =	sadd.s32 s11, s2  }
0xe: {  	s5 =	sadd.s32 s5, s13;
	s10 =	sshrl.u32 s10, $0x3;
	s9 =	smax.u32 s9, $0x1  }
0xf: {  	s13 =	simm.s32 $0x80;
	s7 =	sadd.s32 s7, s12;
	s8 =	sadd.s32 s8, s10  }
0x10: {  	s10 =	sshrl.u32 s11, $0x3;
	s11 =	simm.s32 $0x2;
	s12 =	simm.s32 $0x2800  }
.LBB2_1:
0x11: {  	[spmem:s10], [sflag:s6] =	dma.local [hbm:s5], $0x2800  }
0x12: {  	_ =	swait.ge [sflag:s11], $0x2800  }
0x13: {  	[sflag:s11] =	ssyncset.done $0x0  }
0x14: {  	[sflag:s11] =	ssyncadd.s32 $0xFFFFD800  }
0x15: {  	[tilespmem:s12], [sflag:$0x2] =	stream.linear.gather [hbm4b:s1+s4], $0x4000, $0x38;
	[tilespmem:$0x1A800] =	vst v63  }
0x16: {  	_ =	swait.ge [sflag:s11], $0x4000  }
0x17: {  	[sflag:s11] =	ssyncset.done $0x0  }
0x18: {  	[sflag:s11] =	ssyncadd.s32 $0xFFFFC000  }
0x19: {  	[tilespmem:s4], [sflag:$0x2] =	stream.linear.gather [hbm4b:s7+s4], $0x2800, $0x38;
	[tilespmem:$0x1A800] =	vst v63  }
0x1a: {  	_ =	swait.ge [sflag:s11], $0x2800  }
0x1b: {  	[sflag:s11] =	ssyncset.done $0x0  }
0x1c: {  	[sflag:s11] =	ssyncadd.s32 $0xFFFFD800  }
0x1d: {  	s16 =	simm.s32 $0x0;
	[bflag:$0x0] =	sbarrier.arrive $0xFFFF  }
0x1e: {  	[spmem:s2] =	stream.indirect.scatter.add.f32 [tilespmem:s12], [sflag:$0x1], $0x80, s16, s13, $0xb8;
	[tilespmem:$0x1A800] =	vst v63  }
0x1f: {  	s24 =	simm.s32 $0x80  }
0x20: {  	[spmem:s2] =	stream.indirect.scatter.add.f32 [tilespmem:s12], [sflag:$0x1], $0x80, s24, s13, $0xb8;
	[tilespmem:$0x1A800] =	vst v63  }
0x21: {  	s25 =	simm.s32 $0x100  }
0x22: {  	[spmem:s2] =	stream.indirect.scatter.add.f32 [tilespmem:s12], [sflag:$0x1], $0x80, s25, s13, $0xb8;
	[tilespmem:$0x1A800] =	vst v63  }
0x23: {  	s26 =	simm.s32 $0x180  }
0x24: {  	[spmem:s2] =	stream.indirect.scatter.add.f32 [tilespmem:s12], [sflag:$0x1], $0x80, s26, s13, $0xb8;
	[tilespmem:$0x1A800] =	vst v63  }
0x25: {  	s28 =	simm.s32 $0x200  }
0x26: {  	[spmem:s2] =	stream.indirect.scatter.add.f32 [tilespmem:s12], [sflag:$0x1], $0x80, s28, s13, $0xb8;
	[tilespmem:$0x1A800] =	vst v63  }
0x27: {  	s29 =	simm.s32 $0x280  }
0x28: {  	[spmem:s2] =	stream.indirect.scatter.add.f32 [tilespmem:s12], [sflag:$0x1], $0x80, s29, s13, $0xb8;
	[tilespmem:$0x1A800] =	vst v63  }
0x29: {  	s30 =	simm.s32 $0x300  }
0x2a: {  	[spmem:s2] =	stream.indirect.scatter.add.f32 [tilespmem:s12], [sflag:$0x1], $0x80, s30, s13, $0xb8;
	[tilespmem:$0x1A800] =	vst v63  }
0x2b: {  	s31 =	simm.s32 $0x380  }
0x2c: {  	[spmem:s2] =	stream.indirect.scatter.add.f32 [tilespmem:s12], [sflag:$0x1], $0x80, s31, s13, $0xb8;
	[tilespmem:$0x1A800] =	vst v63  }
0x2d: {  	_ =	swait.ge [sflag:s14], $0x4000  }
0x2e: {  	[sflag:s14] =	ssyncset.done $0x0  }
0x2f: {  	[sflag:s14] =	ssyncadd.s32 $0xFFFFC000  }
0x30: {  	_ =	swait.ge [sflag:s14], $0x4000  }
0x31: {  	[sflag:s14] =	ssyncset.done $0x0  }
0x32: {  	[sflag:s14] =	ssyncadd.s32 $0xFFFFC000  }
0x33: {  	_ =	swait.ge [sflag:s14], $0x4000  }
0x34: {  	[sflag:s14] =	ssyncset.done $0x0  }
0x35: {  	[sflag:s14] =	ssyncadd.s32 $0xFFFFC000  }
0x36: {  	_ =	swait.ge [sflag:s14], $0x4000  }
0x37: {  	[sflag:s14] =	ssyncset.done $0x0  }
0x38: {  	[sflag:s14] =	ssyncadd.s32 $0xFFFFC000  }
0x39: {  	_ =	swait.ge [sflag:s14], $0x4000  }
0x3a: {  	[sflag:s14] =	ssyncset.done $0x0  }
0x3b: {  	[sflag:s14] =	ssyncadd.s32 $0xFFFFC000  }
0x3c: {  	_ =	swait.ge [sflag:s14], $0x4000  }
0x3d: {  	[sflag:s14] =	ssyncset.done $0x0  }
0x3e: {  	[sflag:s14] =	ssyncadd.s32 $0xFFFFC000  }
0x3f: {  	_ =	swait.ge [sflag:s14], $0x4000  }
0x40: {  	[sflag:s14] =	ssyncset.done $0x0  }
0x41: {  	[sflag:s14] =	ssyncadd.s32 $0xFFFFC000  }
0x42: {  	_ =	swait.ge [sflag:s14], $0x4000  }
0x43: {  	s18 =	simm.s32 $0x2000;
	s16 =	simm.s32 $0x1000;
	[sflag:s14] =	ssyncset.done $0x0  }
.LBB2_2:
0x44: {  	s19 =	sshra.s32 s16, $0x2  }
0x45: {  	[sflag:s14] =	ssyncadd.s32 $0xFFFFC000;
	s16 =	smov.u32 s18;
	s17 =	sadd.s32 $0x1000, s18  }
0x46: {  	[spmem:s2] =	stream.indirect.scatter.add.f32 [tilespmem:s12], [sflag:$0x1], $0x80, s19, s13, $0xb8;
	[tilespmem:$0x1A800] =	vst v63  }
0x47: {  	p0 =	sne.s32 s18, $0x9000;
	s18 =	sadd.s32 $0x80, s19  }
0x48: {  	[spmem:s2] =	stream.indirect.scatter.add.f32 [tilespmem:s12], [sflag:$0x1], $0x80, s18, s13, $0xb8;
	[tilespmem:$0x1A800] =	vst v63  }
0x49: {  	s18 =	sadd.s32 $0x100, s19  }
0x4a: {  	[spmem:s2] =	stream.indirect.scatter.add.f32 [tilespmem:s12], [sflag:$0x1], $0x80, s18, s13, $0xb8;
	[tilespmem:$0x1A800] =	vst v63  }
0x4b: {  	s18 =	sadd.s32 $0x180, s19  }
0x4c: {  	[spmem:s2] =	stream.indirect.scatter.add.f32 [tilespmem:s12], [sflag:$0x1], $0x80, s18, s13, $0xb8;
	[tilespmem:$0x1A800] =	vst v63  }
0x4d: {  	s18 =	sadd.s32 $0x200, s19  }
0x4e: {  	[spmem:s2] =	stream.indirect.scatter.add.f32 [tilespmem:s12], [sflag:$0x1], $0x80, s18, s13, $0xb8;
	[tilespmem:$0x1A800] =	vst v63  }
0x4f: {  	s18 =	sadd.s32 $0x280, s19  }
0x50: {  	[spmem:s2] =	stream.indirect.scatter.add.f32 [tilespmem:s12], [sflag:$0x1], $0x80, s18, s13, $0xb8;
	[tilespmem:$0x1A800] =	vst v63  }
0x51: {  	s18 =	sadd.s32 $0x300, s19  }
0x52: {  	[spmem:s2] =	stream.indirect.scatter.add.f32 [tilespmem:s12], [sflag:$0x1], $0x80, s18, s13, $0xb8;
	[tilespmem:$0x1A800] =	vst v63  }
0x53: {  	s18 =	sadd.s32 $0x380, s19  }
0x54: {  	[spmem:s2] =	stream.indirect.scatter.add.f32 [tilespmem:s12], [sflag:$0x1], $0x80, s18, s13, $0xb8;
	[tilespmem:$0x1A800] =	vst v63  }
0x55: {  	_ =	swait.ge [sflag:s14], $0x4000  }
0x56: {  	[sflag:s14] =	ssyncset.done $0x0  }
0x57: {  	[sflag:s14] =	ssyncadd.s32 $0xFFFFC000  }
0x58: {  	_ =	swait.ge [sflag:s14], $0x4000  }
0x59: {  	[sflag:s14] =	ssyncset.done $0x0  }
0x5a: {  	[sflag:s14] =	ssyncadd.s32 $0xFFFFC000  }
0x5b: {  	_ =	swait.ge [sflag:s14], $0x4000  }
0x5c: {  	[sflag:s14] =	ssyncset.done $0x0  }
0x5d: {  	[sflag:s14] =	ssyncadd.s32 $0xFFFFC000  }
0x5e: {  	_ =	swait.ge [sflag:s14], $0x4000  }
0x5f: {  	[sflag:s14] =	ssyncset.done $0x0  }
0x60: {  	[sflag:s14] =	ssyncadd.s32 $0xFFFFC000  }
0x61: {  	_ =	swait.ge [sflag:s14], $0x4000  }
0x62: {  	[sflag:s14] =	ssyncset.done $0x0  }
0x63: {  	[sflag:s14] =	ssyncadd.s32 $0xFFFFC000  }
0x64: {  	_ =	swait.ge [sflag:s14], $0x4000  }
0x65: {  	[sflag:s14] =	ssyncset.done $0x0  }
0x66: {  	[sflag:s14] =	ssyncadd.s32 $0xFFFFC000  }
.Ltmp0:
0x67: {  	_ =	swait.ge [sflag:s14], $0x4000;
	(pc) =	sbr.rel @p0 .LBB2_2-.Ltmp0, $4  }
0x68: {  	[sflag:s14] =	ssyncset.done $0x0  }
0x69: {  	[sflag:s14] =	ssyncadd.s32 $0xFFFFC000  }
0x6a: {  	_ =	swait.ge [sflag:s14], $0x4000  }
0x6b: {  	s18 =	smov.u32 s17;
	[sflag:s14] =	ssyncset.done $0x0  }
0x6c: {  	s16 =	sshra.s32 s16, $0x2;
	[sflag:s14] =	ssyncadd.s32 $0xFFFFC000  }
0x6d: {  	[spmem:s2] =	stream.indirect.scatter.add.f32 [tilespmem:s12], [sflag:$0x1], $0x80, s16, s13, $0xb8;
	[tilespmem:$0x1A800] =	vst v63  }
0x6e: {  	s17 =	sadd.s32 $0x80, s16  }
0x6f: {  	[spmem:s2] =	stream.indirect.scatter.add.f32 [tilespmem:s12], [sflag:$0x1], $0x80, s17, s13, $0xb8;
	[tilespmem:$0x1A800] =	vst v63  }
0x70: {  	s26 =	sadd.s32 $0x100, s16  }
0x71: {  	[spmem:s2] =	stream.indirect.scatter.add.f32 [tilespmem:s12], [sflag:$0x1], $0x80, s26, s13, $0xb8;
	[tilespmem:$0x1A800] =	vst v63  }
0x72: {  	s28 =	sadd.s32 $0x180, s16  }
0x73: {  	[spmem:s2] =	stream.indirect.scatter.add.f32 [tilespmem:s12], [sflag:$0x1], $0x80, s28, s13, $0xb8;
	[tilespmem:$0x1A800] =	vst v63  }
0x74: {  	s29 =	sadd.s32 $0x200, s16  }
0x75: {  	[spmem:s2] =	stream.indirect.scatter.add.f32 [tilespmem:s12], [sflag:$0x1], $0x80, s29, s13, $0xb8;
	[tilespmem:$0x1A800] =	vst v63  }
0x76: {  	s30 =	sadd.s32 $0x280, s16  }
0x77: {  	[spmem:s2] =	stream.indirect.scatter.add.f32 [tilespmem:s12], [sflag:$0x1], $0x80, s30, s13, $0xb8;
	[tilespmem:$0x1A800] =	vst v63  }
0x78: {  	s31 =	sadd.s32 $0x300, s16  }
0x79: {  	[spmem:s2] =	stream.indirect.scatter.add.f32 [tilespmem:s12], [sflag:$0x1], $0x80, s31, s13, $0xb8;
	[tilespmem:$0x1A800] =	vst v63  }
0x7a: {  	s16 =	sadd.s32 $0x380, s16  }
0x7b: {  	[spmem:s2] =	stream.indirect.scatter.add.f32 [tilespmem:s12], [sflag:$0x1], $0x80, s16, s13, $0xb8;
	[tilespmem:$0x1A800] =	vst v63  }
0x7c: {  	_ =	swait.ge [sflag:s14], $0x4000  }
0x7d: {  	[sflag:s14] =	ssyncset.done $0x0  }
0x7e: {  	[sflag:s14] =	ssyncadd.s32 $0xFFFFC000  }
0x7f: {  	_ =	swait.ge [sflag:s14], $0x4000  }
0x80: {  	[sflag:s14] =	ssyncset.done $0x0  }
0x81: {  	[sflag:s14] =	ssyncadd.s32 $0xFFFFC000  }
0x82: {  	_ =	swait.ge [sflag:s14], $0x4000  }
0x83: {  	[sflag:s14] =	ssyncset.done $0x0  }
0x84: {  	[sflag:s14] =	ssyncadd.s32 $0xFFFFC000  }
0x85: {  	_ =	swait.ge [sflag:s14], $0x4000  }
0x86: {  	[sflag:s14] =	ssyncset.done $0x0  }
0x87: {  	[sflag:s14] =	ssyncadd.s32 $0xFFFFC000  }
0x88: {  	_ =	swait.ge [sflag:s14], $0x4000  }
0x89: {  	[sflag:s14] =	ssyncset.done $0x0  }
0x8a: {  	[sflag:s14] =	ssyncadd.s32 $0xFFFFC000  }
0x8b: {  	_ =	swait.ge [sflag:s14], $0x4000  }
0x8c: {  	[sflag:s14] =	ssyncset.done $0x0  }
0x8d: {  	[sflag:s14] =	ssyncadd.s32 $0xFFFFC000  }
0x8e: {  	_ =	swait.ge [sflag:s14], $0x4000  }
0x8f: {  	[sflag:s14] =	ssyncset.done $0x0  }
0x90: {  	[sflag:s14] =	ssyncadd.s32 $0xFFFFC000  }
0x91: {  	_ =	swait.ge [sflag:s14], $0x4000  }
0x92: {  	s15 =	sadd.s32 $0x1, s15;
	[sflag:s14] =	ssyncset.done $0x0  }
0x93: {  	p0 =	sne.s32 s15, s9;
	[sflag:s14] =	ssyncadd.s32 $0xFFFFC000  }
.Ltmp1:
0x94: {  	[bflag:$0x0] =	sbarrier.arrive $0xFFFF;
	(pc) =	sbr.rel @p0 .LBB2_1-.Ltmp1, $4  }
0x95: {  	[hbm:s8], [sflag:s6] =	dma.local [spmem:s10], $0x2800  }
0x96: {  	_ =	swait.ge [sflag:s11], $0x2800  }
0x97: {  	[sflag:s11] =	ssyncset.done $0x0  }
0x98: {  	[sflag:s11] =	ssyncadd.s32 $0xFFFFD800  }
0x99: {  	_ =	sfence.sel $0x180000  }
0x9a: {  	[bflag:$0x0] =	sbarrier.arrive $0xFFFF  }
0x9b: {  	p0 =	sne.s32 s3, $0x0;
	_ =	strace $0x90000047  }
0x9c: {  	s0 =	sadd.s32 @!p0 $0x100000, s0;
	[bflag:$0x2] =	sbarrier.arrive $0xFFFF  }
0x9d: {  	[sflag:s0] =	ssyncadd.tile.s32 @!p0 $0x1;
	_ =	shalt  }
.Lfunc_end2:
_tile_overlayer_lowered:
.L_overlay_start_2:
0x9e: {  	(tag) =	ssettag $0x2  }
0x9f: {  	s0 =	rddreg [dreg:$0x0];
	s2 =	stileid.u32  }
0xa0: {  	s1 =	rddreg [dreg:$0x1];
	p0 =	sne.s32 s2, $0x0  }
0xa1: {  	s3 =	rddreg [dreg:$0x2];
	[bflag:$0x3] =	sbarrier.arrive $0xFFFF;
	s2 =	simm.s32 @!p0 $0x1C02  }
0xa2: {  	[timem:s3], [sflag:s2] =	dma.local @!p0 [hbm:s0], s1  }
0xa3: {  	s0 =	simm.s32 @!p0 $0x2  }
0xa4: {  	_ =	swait.ge @!p0 [sflag:s0], s1  }
0xa5: {  	s1 =	ssub.s32 @!p0 $0x0, s1;
	[sflag:s0] =	ssyncset.done @!p0 $0x0  }
0xa6: {  	[sflag:s0] =	ssyncadd.s32 @!p0 s1  }
0xa7: {  	[bflag:$0x3] =	sbarrier.arrive $0xFFFF  }
0xa8: {  	_ =	shalt  }

</sc_bundles>
